<compile_context>
chip_gen: v7x
topology: tpu7x:2x2x1
jax: 0.10.2.dev20260603
libtpu: 0.0.44.dev20260713+nightly
codegen_flags: <defaults>
</compile_context>

<pallas_src>
import functools

import jax
import jax.numpy as jnp
from jax import lax
from jax.experimental import pallas as pl
from jax.experimental.pallas import tpu as pltpu
from jax.experimental.pallas import tpu_sc as plsc

V = 10000
N = 32
VP = 10240
DK = 128
KN = 32
NW = 32
CHUNK = 512
NCHUNK = VP // CHUNK
HI = lax.Precision.HIGHEST


def _sc_gather(idx, pxyz):
    mesh = plsc.VectorSubcoreMesh(core_axis_name="c", subcore_axis_name="s")

    @functools.partial(
        pl.kernel,
        out_type=jax.ShapeDtypeStruct((3 * NW, VP), jnp.float32),
        mesh=mesh,
        scratch_types=[
            pltpu.VMEM((NCHUNK, CHUNK), jnp.int32),
            pltpu.VMEM((3 * VP,), jnp.float32),
            pltpu.SemaphoreType.DMA,
        ],
        compiler_params=pltpu.CompilerParams(use_tc_tiling_on_sc=False),
    )
    def gather_kernel(idx_hbm, tab_hbm, out_hbm, idx_v, xbuf, sem):
        w = lax.axis_index("s") * 2 + lax.axis_index("c")
        pltpu.sync_copy(idx_hbm.at[w], idx_v)

        def fire_body(c, carry):
            for d in range(3):
                pltpu.async_copy(
                    tab_hbm.at[pl.ds(d * VP, VP)].at[idx_v.at[c]],
                    xbuf.at[pl.ds(d * VP + c * CHUNK, CHUNK)],
                    sem,
                )
            return carry

        lax.fori_loop(0, NCHUNK, fire_body, 0)
        pltpu.make_async_copy(tab_hbm, xbuf, sem).wait()

        for d in range(3):
            pltpu.sync_copy(xbuf.at[pl.ds(d * VP, VP)],
                            out_hbm.at[w * 3 + d])

    return gather_kernel(idx, pxyz)


def _tc_compute(c_pl, vt, dt3, st):
    blk = 1024
    grid = VP // blk

    def body(c_ref, v_ref, d_ref, s_ref, o_ref):
        d3 = d_ref[...]
        c = c_ref[...]
        m = lax.dot(d3, c[0:3], precision=HI)
        for j in range(1, N):
            m = jnp.maximum(m, lax.dot(d3, c[3 * j:3 * j + 3], precision=HI))
        p = lax.dot(d3, v_ref[...], precision=HI)
        t = jnp.maximum(m - p, 0.0)
        o_ref[...] = lax.dot(s_ref[...], t, precision=HI)

    return pl.pallas_call(
        body,
        grid=(grid,),
        in_specs=[
            pl.BlockSpec((3 * NW, blk), lambda i: (0, i)),
            pl.BlockSpec((3, blk), lambda i: (0, i)),
            pl.BlockSpec((DK, 3), lambda i: (0, 0)),
            pl.BlockSpec((KN, DK), lambda i: (0, 0)),
        ],
        out_specs=pl.BlockSpec((KN, blk), lambda i: (0, i)),
        out_shape=jax.ShapeDtypeStruct((KN, VP), jnp.float32),
    )(c_pl, vt, dt3, st)


def kernel(neighbor_index, vertices, weights, displacement):
    verts = vertices[0]
    vt = jnp.pad(verts.T, ((0, 0), (0, VP - V)))
    pxyz = vt.reshape(3 * VP)
    idx = jnp.pad(neighbor_index[0].astype(jnp.int32).T, ((0, 0), (0, VP - V)))
    idx = idx.reshape(NW, NCHUNK, CHUNK)
    dt3 = displacement.T
    w = weights[0, 0]
    eye = jnp.eye(KN, dtype=jnp.float32)
    st = (w[:, None, :] * eye[None]).reshape(DK, KN).T

    c_pl = _sc_gather(idx, pxyz)
    out_t = _tc_compute(c_pl, vt, dt3, st)
    return out_t[:, :V].T[None]

# --- scband reference (transcript-rebuilt; emitter-appended) ---
"""Pipeline reference for scband-operator3-d-6476810682590 (READ-ONLY COPY).

The authoritative reference and input builder live on the scoring server;
editing this copy changes nothing except your own understanding.
"""

import jax, jax.numpy as jnp
import numpy as np


def setup_inputs(seed: int = 0) -> dict:
    key = jax.random.key(seed)
    k1, k2, k3, k4 = jax.random.split(key, 4)
    bs, V, n = 1, 10000, 32
    support_num, kernel_num = 4, 32
    neighbor_index = jax.random.randint(k1, (bs, V, n), 0, V, dtype=jnp.int64 if jax.config.jax_enable_x64 else jnp.int32)
    vertices = jax.random.normal(k2, (bs, V, 3), dtype=jnp.float32)
    stdv = 1.0 / np.sqrt(support_num * kernel_num)
    weights = jax.random.uniform(k3, (1, 1, support_num, kernel_num), minval=-stdv, maxval=stdv, dtype=jnp.float32)
    displacement = jax.random.uniform(k4, (3, support_num * kernel_num), minval=-stdv, maxval=stdv, dtype=jnp.float32)
    return {"neighbor_index": neighbor_index, "vertices": vertices, "weights": weights, "displacement": displacement}


def reference(neighbor_index, vertices, weights, displacement):
    bs, V, n = neighbor_index.shape
    support_num = weights.shape[2]
    kernel_num = weights.shape[3]
    # indexing_neighbor: gather neighbor coordinates (bs, V, n, 3)
    id0 = jnp.arange(bs)[:, None, None]
    neighbors = vertices[id0, neighbor_index]
    # get_neighbor_displacement
    neighbor_displacement = neighbors - vertices[:, :, None, :]
    # project onto learned displacement directions
    theta = neighbor_displacement @ displacement  # (bs, V, n, support_num*kernel_num)
    theta = jax.nn.relu(theta)
    theta = theta.reshape(bs, V, n, support_num, kernel_num)
    theta = jnp.max(theta, axis=2) * weights  # (bs, V, support_num, kernel_num)
    feature = jnp.sum(theta, axis=2)  # (bs, V, kernel_num)
    return feature

if __name__ == "__main__":
    import jax
    _d = setup_inputs()
    print(jax.jit(kernel)(*tuple(_d.values())))

</pallas_src>

<mosaic_0001>
#map = affine_map<(d0, d1) -> (0, 0, 0)>
#map1 = affine_map<(d0, d1) -> (0)>
#map2 = affine_map<(d0, d1) -> (0, 0)>
module attributes {stable_mosaic.version = 14 : i64} {
  func.func @gather_kernel(%arg0: i32, %arg1: i32, %arg2: memref<32x20x512xi32, #tpu.memory_space<hbm>>, %arg3: memref<30720xf32, #tpu.memory_space<hbm>>, %arg4: memref<96x10240xf32, #tpu.memory_space<hbm>>, %arg5: memref<20x512xi32, #tpu.memory_space<vmem>>, %arg6: memref<30720xf32, #tpu.memory_space<vmem>>, %arg7: memref<!tpu.dma_semaphore, #tpu.memory_space<semaphore_mem>>) attributes {dimension_semantics = [#tpu.dimension_semantics<core_parallel>, #tpu.dimension_semantics<subcore_parallel>], iteration_bounds = array<i64: 2, 16>, scalar_prefetch = 0 : i64, scratch_operands = 3 : i64, tpu.core_type = #tpu.core_type<sc_vector_subcore>, window_params = [{transform_indices = #map}, {transform_indices = #map1}, {transform_indices = #map2}]} {
    %mul3A = arith.constant 2 : i32
    %mul3A_0 = arith.muli %arg1, %mul3A : i32
    %add3A = arith.addi %mul3A_0, %arg0 : i32
    "tpu.region"() ({
      %run_scoped3A = tpu.sem_alloc : memref<!tpu.dma_semaphore, #tpu.memory_space<semaphore_mem>>
      %dma_start3A = arith.constant 0 : i32
      %dma_start3A_18 = arith.constant 0 : i32
      %dma_start3A_19 = tpu.memref_slice %arg2[%add3A, %dma_start3A, %dma_start3A_18] : memref<32x20x512xi32, #tpu.memory_space<hbm>> -> memref<1x20x512xi32, #tpu.memory_space<hbm>>
      %dma_start3A_20 = tpu.memref_squeeze %dma_start3A_19 : memref<1x20x512xi32, #tpu.memory_space<hbm>> -> memref<20x512xi32, #tpu.memory_space<hbm>>
      %dma_start3A_21 = arith.constant 0 : i32
      %dma_start3A_22 = arith.constant 0 : i32
      %dma_start3A_23 = tpu.memref_slice %arg2[%add3A, %dma_start3A_21, %dma_start3A_22] : memref<32x20x512xi32, #tpu.memory_space<hbm>> -> memref<1x20x512xi32, #tpu.memory_space<hbm>>
      %dma_start3A_24 = tpu.memref_squeeze %dma_start3A_23 : memref<1x20x512xi32, #tpu.memory_space<hbm>> -> memref<20x512xi32, #tpu.memory_space<hbm>>
      tpu.enqueue_dma source(%dma_start3A_24 : memref<20x512xi32, #tpu.memory_space<hbm>>) target(%arg5 : memref<20x512xi32, #tpu.memory_space<vmem>>) target_semaphore(%run_scoped3A : memref<!tpu.dma_semaphore, #tpu.memory_space<semaphore_mem>>)
      %dma_wait3A = arith.constant 0 : i32
      %dma_wait3A_25 = arith.constant 0 : i32
      %dma_wait3A_26 = tpu.memref_slice %arg2[%add3A, %dma_wait3A, %dma_wait3A_25] : memref<32x20x512xi32, #tpu.memory_space<hbm>> -> memref<1x20x512xi32, #tpu.memory_space<hbm>>
      %dma_wait3A_27 = tpu.memref_squeeze %dma_wait3A_26 : memref<1x20x512xi32, #tpu.memory_space<hbm>> -> memref<20x512xi32, #tpu.memory_space<hbm>>
      %dma_wait3A_28 = arith.constant 0 : i32
      %dma_wait3A_29 = arith.constant 0 : i32
      %dma_wait3A_30 = tpu.memref_slice %arg2[%add3A, %dma_wait3A_28, %dma_wait3A_29] : memref<32x20x512xi32, #tpu.memory_space<hbm>> -> memref<1x20x512xi32, #tpu.memory_space<hbm>>
      %dma_wait3A_31 = tpu.memref_squeeze %dma_wait3A_30 : memref<1x20x512xi32, #tpu.memory_space<hbm>> -> memref<20x512xi32, #tpu.memory_space<hbm>>
      tpu.wait_dma2 semaphore(%run_scoped3A : memref<!tpu.dma_semaphore, #tpu.memory_space<semaphore_mem>>) src(%dma_wait3A_31 : memref<20x512xi32, #tpu.memory_space<hbm>>) dst(%arg5 : memref<20x512xi32, #tpu.memory_space<vmem>>)
      tpu.yield
    }) : () -> ()
    %scan3A = arith.constant 0 : i32
    %scan3A_1 = arith.constant 0 : i32
    %scan3A_2 = arith.constant 20 : i32
    %scan3A_3 = arith.addi %scan3A_1, %scan3A_2 : i32
    %scan3A_4 = arith.constant 1 : i32
    scf.for %scan3A_18 = %scan3A_1 to %scan3A_3 step %scan3A_4  : i32 {
      %mul3A_19 = arith.constant 512 : i32
      %mul3A_20 = arith.muli %scan3A_18, %mul3A_19 : i32
      %add3A_21 = arith.constant 0 : i32
      %add3A_22 = arith.addi %add3A_21, %mul3A_20 : i32
      %dma_start3A = tpu.memref_slice %arg6[%add3A_22] : memref<30720xf32, #tpu.memory_space<vmem>> -> memref<512xf32, #tpu.memory_space<vmem>>
      %dma_start3A_23 = arith.constant 0 : i32
      %dma_start3A_24 = tpu.memref_slice %arg5[%scan3A_18, %dma_start3A_23] : memref<20x512xi32, #tpu.memory_space<vmem>> -> memref<1x512xi32, #tpu.memory_space<vmem>>
      %dma_start3A_25 = tpu.memref_squeeze %dma_start3A_24 : memref<1x512xi32, #tpu.memory_space<vmem>> -> memref<512xi32, #tpu.memory_space<vmem>>
      %dma_start3A_26 = arith.constant 0 : i32
      %dma_start3A_27 = tpu.memref_slice %arg3[%dma_start3A_26] : memref<30720xf32, #tpu.memory_space<hbm>> -> memref<10240xf32, #tpu.memory_space<hbm>>
      %dma_start3A_28 = arith.constant 0 : i32
      %dma_start3A_29 = tpu.memref_slice %dma_start3A_27[%dma_start3A_28] : memref<10240xf32, #tpu.memory_space<hbm>> -> memref<10240xf32, #tpu.memory_space<hbm>>
      tpu.enqueue_indirect_dma source(%dma_start3A_29 : memref<10240xf32, #tpu.memory_space<hbm>>) target(%dma_start3A : memref<512xf32, #tpu.memory_space<vmem>>) offsets(%dma_start3A_25 : memref<512xi32, #tpu.memory_space<vmem>>) semaphore(%arg7 : memref<!tpu.dma_semaphore, #tpu.memory_space<semaphore_mem>>)
      %mul3A_30 = arith.constant 512 : i32
      %mul3A_31 = arith.muli %scan3A_18, %mul3A_30 : i32
      %add3A_32 = arith.constant 10240 : i32
      %add3A_33 = arith.addi %add3A_32, %mul3A_31 : i32
      %dma_start3A_34 = tpu.memref_slice %arg6[%add3A_33] : memref<30720xf32, #tpu.memory_space<vmem>> -> memref<512xf32, #tpu.memory_space<vmem>>
      %dma_start3A_35 = arith.constant 0 : i32
      %dma_start3A_36 = tpu.memref_slice %arg5[%scan3A_18, %dma_start3A_35] : memref<20x512xi32, #tpu.memory_space<vmem>> -> memref<1x512xi32, #tpu.memory_space<vmem>>
      %dma_start3A_37 = tpu.memref_squeeze %dma_start3A_36 : memref<1x512xi32, #tpu.memory_space<vmem>> -> memref<512xi32, #tpu.memory_space<vmem>>
      %dma_start3A_38 = arith.constant 10240 : i32
      %dma_start3A_39 = tpu.memref_slice %arg3[%dma_start3A_38] : memref<30720xf32, #tpu.memory_space<hbm>> -> memref<10240xf32, #tpu.memory_space<hbm>>
      %dma_start3A_40 = arith.constant 0 : i32
      %dma_start3A_41 = tpu.memref_slice %dma_start3A_39[%dma_start3A_40] : memref<10240xf32, #tpu.memory_space<hbm>> -> memref<10240xf32, #tpu.memory_space<hbm>>
      tpu.enqueue_indirect_dma source(%dma_start3A_41 : memref<10240xf32, #tpu.memory_space<hbm>>) target(%dma_start3A_34 : memref<512xf32, #tpu.memory_space<vmem>>) offsets(%dma_start3A_37 : memref<512xi32, #tpu.memory_space<vmem>>) semaphore(%arg7 : memref<!tpu.dma_semaphore, #tpu.memory_space<semaphore_mem>>)
      %mul3A_42 = arith.constant 512 : i32
      %mul3A_43 = arith.muli %scan3A_18, %mul3A_42 : i32
      %add3A_44 = arith.constant 20480 : i32
      %add3A_45 = arith.addi %add3A_44, %mul3A_43 : i32
      %dma_start3A_46 = tpu.memref_slice %arg6[%add3A_45] : memref<30720xf32, #tpu.memory_space<vmem>> -> memref<512xf32, #tpu.memory_space<vmem>>
      %dma_start3A_47 = arith.constant 0 : i32
      %dma_start3A_48 = tpu.memref_slice %arg5[%scan3A_18, %dma_start3A_47] : memref<20x512xi32, #tpu.memory_space<vmem>> -> memref<1x512xi32, #tpu.memory_space<vmem>>
      %dma_start3A_49 = tpu.memref_squeeze %dma_start3A_48 : memref<1x512xi32, #tpu.memory_space<vmem>> -> memref<512xi32, #tpu.memory_space<vmem>>
      %dma_start3A_50 = arith.constant 20480 : i32
      %dma_start3A_51 = tpu.memref_slice %arg3[%dma_start3A_50] : memref<30720xf32, #tpu.memory_space<hbm>> -> memref<10240xf32, #tpu.memory_space<hbm>>
      %dma_start3A_52 = arith.constant 0 : i32
      %dma_start3A_53 = tpu.memref_slice %dma_start3A_51[%dma_start3A_52] : memref<10240xf32, #tpu.memory_space<hbm>> -> memref<10240xf32, #tpu.memory_space<hbm>>
      tpu.enqueue_indirect_dma source(%dma_start3A_53 : memref<10240xf32, #tpu.memory_space<hbm>>) target(%dma_start3A_46 : memref<512xf32, #tpu.memory_space<vmem>>) offsets(%dma_start3A_49 : memref<512xi32, #tpu.memory_space<vmem>>) semaphore(%arg7 : memref<!tpu.dma_semaphore, #tpu.memory_space<semaphore_mem>>)
    }
    %scan3A_5 = arith.constant 20 : i32
    tpu.wait_dma2 semaphore(%arg7 : memref<!tpu.dma_semaphore, #tpu.memory_space<semaphore_mem>>) src(%arg3 : memref<30720xf32, #tpu.memory_space<hbm>>) dst(%arg6 : memref<30720xf32, #tpu.memory_space<vmem>>)
    %mul3A_6 = arith.constant 3 : i32
    %mul3A_7 = arith.muli %add3A, %mul3A_6 : i32
    %add3A_8 = arith.constant 0 : i32
    %add3A_9 = arith.addi %mul3A_7, %add3A_8 : i32
    "tpu.region"() ({
      %run_scoped3A = tpu.sem_alloc : memref<!tpu.dma_semaphore, #tpu.memory_space<semaphore_mem>>
      %dma_start3A = arith.constant 0 : i32
      %dma_start3A_18 = tpu.memref_slice %arg6[%dma_start3A] : memref<30720xf32, #tpu.memory_space<vmem>> -> memref<10240xf32, #tpu.memory_space<vmem>>
      %dma_start3A_19 = arith.constant 0 : i32
      %dma_start3A_20 = tpu.memref_slice %arg4[%add3A_9, %dma_start3A_19] : memref<96x10240xf32, #tpu.memory_space<hbm>> -> memref<1x10240xf32, #tpu.memory_space<hbm>>
      %dma_start3A_21 = tpu.memref_squeeze %dma_start3A_20 : memref<1x10240xf32, #tpu.memory_space<hbm>> -> memref<10240xf32, #tpu.memory_space<hbm>>
      %dma_start3A_22 = arith.constant 0 : i32
      %dma_start3A_23 = tpu.memref_slice %arg4[%add3A_9, %dma_start3A_22] : memref<96x10240xf32, #tpu.memory_space<hbm>> -> memref<1x10240xf32, #tpu.memory_space<hbm>>
      %dma_start3A_24 = tpu.memref_squeeze %dma_start3A_23 : memref<1x10240xf32, #tpu.memory_space<hbm>> -> memref<10240xf32, #tpu.memory_space<hbm>>
      %dma_start3A_25 = arith.constant 0 : i32
      %dma_start3A_26 = tpu.memref_slice %arg6[%dma_start3A_25] : memref<30720xf32, #tpu.memory_space<vmem>> -> memref<10240xf32, #tpu.memory_space<vmem>>
      tpu.enqueue_dma source(%dma_start3A_26 : memref<10240xf32, #tpu.memory_space<vmem>>) target(%dma_start3A_24 : memref<10240xf32, #tpu.memory_space<hbm>>) target_semaphore(%run_scoped3A : memref<!tpu.dma_semaphore, #tpu.memory_space<semaphore_mem>>)
      %dma_wait3A = arith.constant 0 : i32
      %dma_wait3A_27 = tpu.memref_slice %arg6[%dma_wait3A] : memref<30720xf32, #tpu.memory_space<vmem>> -> memref<10240xf32, #tpu.memory_space<vmem>>
      %dma_wait3A_28 = arith.constant 0 : i32
      %dma_wait3A_29 = tpu.memref_slice %arg4[%add3A_9, %dma_wait3A_28] : memref<96x10240xf32, #tpu.memory_space<hbm>> -> memref<1x10240xf32, #tpu.memory_space<hbm>>
      %dma_wait3A_30 = tpu.memref_squeeze %dma_wait3A_29 : memref<1x10240xf32, #tpu.memory_space<hbm>> -> memref<10240xf32, #tpu.memory_space<hbm>>
      %dma_wait3A_31 = arith.constant 0 : i32
      %dma_wait3A_32 = tpu.memref_slice %arg4[%add3A_9, %dma_wait3A_31] : memref<96x10240xf32, #tpu.memory_space<hbm>> -> memref<1x10240xf32, #tpu.memory_space<hbm>>
      %dma_wait3A_33 = tpu.memref_squeeze %dma_wait3A_32 : memref<1x10240xf32, #tpu.memory_space<hbm>> -> memref<10240xf32, #tpu.memory_space<hbm>>
      %dma_wait3A_34 = arith.constant 0 : i32
      %dma_wait3A_35 = tpu.memref_slice %arg6[%dma_wait3A_34] : memref<30720xf32, #tpu.memory_space<vmem>> -> memref<10240xf32, #tpu.memory_space<vmem>>
      tpu.wait_dma2 semaphore(%run_scoped3A : memref<!tpu.dma_semaphore, #tpu.memory_space<semaphore_mem>>) src(%dma_wait3A_35 : memref<10240xf32, #tpu.memory_space<vmem>>) dst(%dma_wait3A_33 : memref<10240xf32, #tpu.memory_space<hbm>>)
      tpu.yield
    }) : () -> ()
    %mul3A_10 = arith.constant 3 : i32
    %mul3A_11 = arith.muli %add3A, %mul3A_10 : i32
    %add3A_12 = arith.constant 1 : i32
    %add3A_13 = arith.addi %mul3A_11, %add3A_12 : i32
    "tpu.region"() ({
      %run_scoped3A = tpu.sem_alloc : memref<!tpu.dma_semaphore, #tpu.memory_space<semaphore_mem>>
      %dma_start3A = arith.constant 10240 : i32
      %dma_start3A_18 = tpu.memref_slice %arg6[%dma_start3A] : memref<30720xf32, #tpu.memory_space<vmem>> -> memref<10240xf32, #tpu.memory_space<vmem>>
      %dma_start3A_19 = arith.constant 0 : i32
      %dma_start3A_20 = tpu.memref_slice %arg4[%add3A_13, %dma_start3A_19] : memref<96x10240xf32, #tpu.memory_space<hbm>> -> memref<1x10240xf32, #tpu.memory_space<hbm>>
      %dma_start3A_21 = tpu.memref_squeeze %dma_start3A_20 : memref<1x10240xf32, #tpu.memory_space<hbm>> -> memref<10240xf32, #tpu.memory_space<hbm>>
      %dma_start3A_22 = arith.constant 0 : i32
      %dma_start3A_23 = tpu.memref_slice %arg4[%add3A_13, %dma_start3A_22] : memref<96x10240xf32, #tpu.memory_space<hbm>> -> memref<1x10240xf32, #tpu.memory_space<hbm>>
      %dma_start3A_24 = tpu.memref_squeeze %dma_start3A_23 : memref<1x10240xf32, #tpu.memory_space<hbm>> -> memref<10240xf32, #tpu.memory_space<hbm>>
      %dma_start3A_25 = arith.constant 10240 : i32
      %dma_start3A_26 = tpu.memref_slice %arg6[%dma_start3A_25] : memref<30720xf32, #tpu.memory_space<vmem>> -> memref<10240xf32, #tpu.memory_space<vmem>>
      tpu.enqueue_dma source(%dma_start3A_26 : memref<10240xf32, #tpu.memory_space<vmem>>) target(%dma_start3A_24 : memref<10240xf32, #tpu.memory_space<hbm>>) target_semaphore(%run_scoped3A : memref<!tpu.dma_semaphore, #tpu.memory_space<semaphore_mem>>)
      %dma_wait3A = arith.constant 10240 : i32
      %dma_wait3A_27 = tpu.memref_slice %arg6[%dma_wait3A] : memref<30720xf32, #tpu.memory_space<vmem>> -> memref<10240xf32, #tpu.memory_space<vmem>>
      %dma_wait3A_28 = arith.constant 0 : i32
      %dma_wait3A_29 = tpu.memref_slice %arg4[%add3A_13, %dma_wait3A_28] : memref<96x10240xf32, #tpu.memory_space<hbm>> -> memref<1x10240xf32, #tpu.memory_space<hbm>>
      %dma_wait3A_30 = tpu.memref_squeeze %dma_wait3A_29 : memref<1x10240xf32, #tpu.memory_space<hbm>> -> memref<10240xf32, #tpu.memory_space<hbm>>
      %dma_wait3A_31 = arith.constant 0 : i32
      %dma_wait3A_32 = tpu.memref_slice %arg4[%add3A_13, %dma_wait3A_31] : memref<96x10240xf32, #tpu.memory_space<hbm>> -> memref<1x10240xf32, #tpu.memory_space<hbm>>
      %dma_wait3A_33 = tpu.memref_squeeze %dma_wait3A_32 : memref<1x10240xf32, #tpu.memory_space<hbm>> -> memref<10240xf32, #tpu.memory_space<hbm>>
      %dma_wait3A_34 = arith.constant 10240 : i32
      %dma_wait3A_35 = tpu.memref_slice %arg6[%dma_wait3A_34] : memref<30720xf32, #tpu.memory_space<vmem>> -> memref<10240xf32, #tpu.memory_space<vmem>>
      tpu.wait_dma2 semaphore(%run_scoped3A : memref<!tpu.dma_semaphore, #tpu.memory_space<semaphore_mem>>) src(%dma_wait3A_35 : memref<10240xf32, #tpu.memory_space<vmem>>) dst(%dma_wait3A_33 : memref<10240xf32, #tpu.memory_space<hbm>>)
      tpu.yield
    }) : () -> ()
    %mul3A_14 = arith.constant 3 : i32
    %mul3A_15 = arith.muli %add3A, %mul3A_14 : i32
    %add3A_16 = arith.constant 2 : i32
    %add3A_17 = arith.addi %mul3A_15, %add3A_16 : i32
    "tpu.region"() ({
      %run_scoped3A = tpu.sem_alloc : memref<!tpu.dma_semaphore, #tpu.memory_space<semaphore_mem>>
      %dma_start3A = arith.constant 20480 : i32
      %dma_start3A_18 = tpu.memref_slice %arg6[%dma_start3A] : memref<30720xf32, #tpu.memory_space<vmem>> -> memref<10240xf32, #tpu.memory_space<vmem>>
      %dma_start3A_19 = arith.constant 0 : i32
      %dma_start3A_20 = tpu.memref_slice %arg4[%add3A_17, %dma_start3A_19] : memref<96x10240xf32, #tpu.memory_space<hbm>> -> memref<1x10240xf32, #tpu.memory_space<hbm>>
      %dma_start3A_21 = tpu.memref_squeeze %dma_start3A_20 : memref<1x10240xf32, #tpu.memory_space<hbm>> -> memref<10240xf32, #tpu.memory_space<hbm>>
      %dma_start3A_22 = arith.constant 0 : i32
      %dma_start3A_23 = tpu.memref_slice %arg4[%add3A_17, %dma_start3A_22] : memref<96x10240xf32, #tpu.memory_space<hbm>> -> memref<1x10240xf32, #tpu.memory_space<hbm>>
      %dma_start3A_24 = tpu.memref_squeeze %dma_start3A_23 : memref<1x10240xf32, #tpu.memory_space<hbm>> -> memref<10240xf32, #tpu.memory_space<hbm>>
      %dma_start3A_25 = arith.constant 20480 : i32
      %dma_start3A_26 = tpu.memref_slice %arg6[%dma_start3A_25] : memref<30720xf32, #tpu.memory_space<vmem>> -> memref<10240xf32, #tpu.memory_space<vmem>>
      tpu.enqueue_dma source(%dma_start3A_26 : memref<10240xf32, #tpu.memory_space<vmem>>) target(%dma_start3A_24 : memref<10240xf32, #tpu.memory_space<hbm>>) target_semaphore(%run_scoped3A : memref<!tpu.dma_semaphore, #tpu.memory_space<semaphore_mem>>)
      %dma_wait3A = arith.constant 20480 : i32
      %dma_wait3A_27 = tpu.memref_slice %arg6[%dma_wait3A] : memref<30720xf32, #tpu.memory_space<vmem>> -> memref<10240xf32, #tpu.memory_space<vmem>>
      %dma_wait3A_28 = arith.constant 0 : i32
      %dma_wait3A_29 = tpu.memref_slice %arg4[%add3A_17, %dma_wait3A_28] : memref<96x10240xf32, #tpu.memory_space<hbm>> -> memref<1x10240xf32, #tpu.memory_space<hbm>>
      %dma_wait3A_30 = tpu.memref_squeeze %dma_wait3A_29 : memref<1x10240xf32, #tpu.memory_space<hbm>> -> memref<10240xf32, #tpu.memory_space<hbm>>
      %dma_wait3A_31 = arith.constant 0 : i32
      %dma_wait3A_32 = tpu.memref_slice %arg4[%add3A_17, %dma_wait3A_31] : memref<96x10240xf32, #tpu.memory_space<hbm>> -> memref<1x10240xf32, #tpu.memory_space<hbm>>
      %dma_wait3A_33 = tpu.memref_squeeze %dma_wait3A_32 : memref<1x10240xf32, #tpu.memory_space<hbm>> -> memref<10240xf32, #tpu.memory_space<hbm>>
      %dma_wait3A_34 = arith.constant 20480 : i32
      %dma_wait3A_35 = tpu.memref_slice %arg6[%dma_wait3A_34] : memref<30720xf32, #tpu.memory_space<vmem>> -> memref<10240xf32, #tpu.memory_space<vmem>>
      tpu.wait_dma2 semaphore(%run_scoped3A : memref<!tpu.dma_semaphore, #tpu.memory_space<semaphore_mem>>) src(%dma_wait3A_35 : memref<10240xf32, #tpu.memory_space<vmem>>) dst(%dma_wait3A_33 : memref<10240xf32, #tpu.memory_space<hbm>>)
      tpu.yield
    }) : () -> ()
    return
  }
}

module attributes {stable_mosaic.version = 14 : i64} {
  func.func @body(%arg0: i32, %arg1: memref<96x1024xf32, #tpu.memory_space<vmem>>, %arg2: memref<3x1024xf32, #tpu.memory_space<vmem>>, %arg3: memref<128x3xf32, #tpu.memory_space<vmem>>, %arg4: memref<32x128xf32, #tpu.memory_space<vmem>>, %arg5: memref<32x1024xf32, #tpu.memory_space<vmem>>) attributes {dimension_semantics = [#tpu.dimension_semantics<arbitrary>], iteration_bounds = array<i64: 10>, scalar_prefetch = 0 : i64, scratch_operands = 0 : i64, tpu.core_type = #tpu.core_type<tc>, window_params = [{transform_indices = @transform_0, window_bounds = array<i64: 96, 1024>}, {transform_indices = @transform_1, window_bounds = array<i64: 3, 1024>}, {pipeline_mode = #tpu.pipeline_mode<synchronous>, transform_indices = @transform_2, window_bounds = array<i64: 128, 3>}, {pipeline_mode = #tpu.pipeline_mode<synchronous>, transform_indices = @transform_3, window_bounds = array<i64: 32, 128>}, {transform_indices = @transform_4, window_bounds = array<i64: 32, 1024>}]} {
    %get3A = arith.constant 0 : index
    %get3A_0 = arith.constant 0 : index
    %get3A_1 = vector.load %arg3[%get3A, %get3A_0] : memref<128x3xf32, #tpu.memory_space<vmem>>, vector<128x3xf32>
    %get3A_2 = arith.constant 0 : index
    %get3A_3 = arith.constant 0 : index
    %get3A_4 = vector.load %arg1[%get3A_2, %get3A_3] : memref<96x1024xf32, #tpu.memory_space<vmem>>, vector<96x1024xf32>
    %slice3A = vector.extract_strided_slice %get3A_4 {offsets = [0, 0], sizes = [3, 1024], strides = [1, 1]} : vector<96x1024xf32> to vector<3x1024xf32>
    %dot_general3A = arith.constant dense<0.000000e+00> : vector<128x1024xf32>
    %dot_general3A_5 = tpu.matmul %get3A_1, %slice3A, %dot_general3A {dimension_numbers = #tpu.dot_dimension_numbers<[1], [0], [0], [1], [0, 0, 1, 1], [], []>, precision = #tpu.contract_precision<fp32>, transpose_lhs_hint = false} : vector<128x3xf32>, vector<3x1024xf32>, vector<128x1024xf32> -> vector<128x1024xf32>
    %slice3A_6 = vector.extract_strided_slice %get3A_4 {offsets = [3, 0], sizes = [3, 1024], strides = [1, 1]} : vector<96x1024xf32> to vector<3x1024xf32>
    %dot_general3A_7 = arith.constant dense<0.000000e+00> : vector<128x1024xf32>
    %dot_general3A_8 = tpu.matmul %get3A_1, %slice3A_6, %dot_general3A_7 {dimension_numbers = #tpu.dot_dimension_numbers<[1], [0], [0], [1], [0, 0, 1, 1], [], []>, precision = #tpu.contract_precision<fp32>, transpose_lhs_hint = false} : vector<128x3xf32>, vector<3x1024xf32>, vector<128x1024xf32> -> vector<128x1024xf32>
    %max3A = arith.maximumf %dot_general3A_5, %dot_general3A_8 : vector<128x1024xf32>
    %slice3A_9 = vector.extract_strided_slice %get3A_4 {offsets = [6, 0], sizes = [3, 1024], strides = [1, 1]} : vector<96x1024xf32> to vector<3x1024xf32>
    %dot_general3A_10 = arith.constant dense<0.000000e+00> : vector<128x1024xf32>
    %dot_general3A_11 = tpu.matmul %get3A_1, %slice3A_9, %dot_general3A_10 {dimension_numbers = #tpu.dot_dimension_numbers<[1], [0], [0], [1], [0, 0, 1, 1], [], []>, precision = #tpu.contract_precision<fp32>, transpose_lhs_hint = false} : vector<128x3xf32>, vector<3x1024xf32>, vector<128x1024xf32> -> vector<128x1024xf32>
    %max3A_12 = arith.maximumf %max3A, %dot_general3A_11 : vector<128x1024xf32>
    %slice3A_13 = vector.extract_strided_slice %get3A_4 {offsets = [9, 0], sizes = [3, 1024], strides = [1, 1]} : vector<96x1024xf32> to vector<3x1024xf32>
    %dot_general3A_14 = arith.constant dense<0.000000e+00> : vector<128x1024xf32>
    %dot_general3A_15 = tpu.matmul %get3A_1, %slice3A_13, %dot_general3A_14 {dimension_numbers = #tpu.dot_dimension_numbers<[1], [0], [0], [1], [0, 0, 1, 1], [], []>, precision = #tpu.contract_precision<fp32>, transpose_lhs_hint = false} : vector<128x3xf32>, vector<3x1024xf32>, vector<128x1024xf32> -> vector<128x1024xf32>
    %max3A_16 = arith.maximumf %max3A_12, %dot_general3A_15 : vector<128x1024xf32>
    %slice3A_17 = vector.extract_strided_slice %get3A_4 {offsets = [12, 0], sizes = [3, 1024], strides = [1, 1]} : vector<96x1024xf32> to vector<3x1024xf32>
    %dot_general3A_18 = arith.constant dense<0.000000e+00> : vector<128x1024xf32>
    %dot_general3A_19 = tpu.matmul %get3A_1, %slice3A_17, %dot_general3A_18 {dimension_numbers = #tpu.dot_dimension_numbers<[1], [0], [0], [1], [0, 0, 1, 1], [], []>, precision = #tpu.contract_precision<fp32>, transpose_lhs_hint = false} : vector<128x3xf32>, vector<3x1024xf32>, vector<128x1024xf32> -> vector<128x1024xf32>
    %max3A_20 = arith.maximumf %max3A_16, %dot_general3A_19 : vector<128x1024xf32>
    %slice3A_21 = vector.extract_strided_slice %get3A_4 {offsets = [15, 0], sizes = [3, 1024], strides = [1, 1]} : vector<96x1024xf32> to vector<3x1024xf32>
    %dot_general3A_22 = arith.constant dense<0.000000e+00> : vector<128x1024xf32>
    %dot_general3A_23 = tpu.matmul %get3A_1, %slice3A_21, %dot_general3A_22 {dimension_numbers = #tpu.dot_dimension_numbers<[1], [0], [0], [1], [0, 0, 1, 1], [], []>, precision = #tpu.contract_precision<fp32>, transpose_lhs_hint = false} : vector<128x3xf32>, vector<3x1024xf32>, vector<128x1024xf32> -> vector<128x1024xf32>
    %max3A_24 = arith.maximumf %max3A_20, %dot_general3A_23 : vector<128x1024xf32>
    %slice3A_25 = vector.extract_strided_slice %get3A_4 {offsets = [18, 0], sizes = [3, 1024], strides = [1, 1]} : vector<96x1024xf32> to vector<3x1024xf32>
    %dot_general3A_26 = arith.constant dense<0.000000e+00> : vector<128x1024xf32>
    %dot_general3A_27 = tpu.matmul %get3A_1, %slice3A_25, %dot_general3A_26 {dimension_numbers = #tpu.dot_dimension_numbers<[1], [0], [0], [1], [0, 0, 1, 1], [], []>, precision = #tpu.contract_precision<fp32>, transpose_lhs_hint = false} : vector<128x3xf32>, vector<3x1024xf32>, vector<128x1024xf32> -> vector<128x1024xf32>
    %max3A_28 = arith.maximumf %max3A_24, %dot_general3A_27 : vector<128x1024xf32>
    %slice3A_29 = vector.extract_strided_slice %get3A_4 {offsets = [21, 0], sizes = [3, 1024], strides = [1, 1]} : vector<96x1024xf32> to vector<3x1024xf32>
    %dot_general3A_30 = arith.constant dense<0.000000e+00> : vector<128x1024xf32>
    %dot_general3A_31 = tpu.matmul %get3A_1, %slice3A_29, %dot_general3A_30 {dimension_numbers = #tpu.dot_dimension_numbers<[1], [0], [0], [1], [0, 0, 1, 1], [], []>, precision = #tpu.contract_precision<fp32>, transpose_lhs_hint = false} : vector<128x3xf32>, vector<3x1024xf32>, vector<128x1024xf32> -> vector<128x1024xf32>
    %max3A_32 = arith.maximumf %max3A_28, %dot_general3A_31 : vector<128x1024xf32>
    %slice3A_33 = vector.extract_strided_slice %get3A_4 {offsets = [24, 0], sizes = [3, 1024], strides = [1, 1]} : vector<96x1024xf32> to vector<3x1024xf32>
    %dot_general3A_34 = arith.constant dense<0.000000e+00> : vector<128x1024xf32>
    %dot_general3A_35 = tpu.matmul %get3A_1, %slice3A_33, %dot_general3A_34 {dimension_numbers = #tpu.dot_dimension_numbers<[1], [0], [0], [1], [0, 0, 1, 1], [], []>, precision = #tpu.contract_precision<fp32>, transpose_lhs_hint = false} : vector<128x3xf32>, vector<3x1024xf32>, vector<128x1024xf32> -> vector<128x1024xf32>
    %max3A_36 = arith.maximumf %max3A_32, %dot_general3A_35 : vector<128x1024xf32>
    %slice3A_37 = vector.extract_strided_slice %get3A_4 {offsets = [27, 0], sizes = [3, 1024], strides = [1, 1]} : vector<96x1024xf32> to vector<3x1024xf32>
    %dot_general3A_38 = arith.constant dense<0.000000e+00> : vector<128x1024xf32>
    %dot_general3A_39 = tpu.matmul %get3A_1, %slice3A_37, %dot_general3A_38 {dimension_numbers = #tpu.dot_dimension_numbers<[1], [0], [0], [1], [0, 0, 1, 1], [], []>, precision = #tpu.contract_precision<fp32>, transpose_lhs_hint = false} : vector<128x3xf32>, vector<3x1024xf32>, vector<128x1024xf32> -> vector<128x1024xf32>
    %max3A_40 = arith.maximumf %max3A_36, %dot_general3A_39 : vector<128x1024xf32>
    %slice3A_41 = vector.extract_strided_slice %get3A_4 {offsets = [30, 0], sizes = [3, 1024], strides = [1, 1]} : vector<96x1024xf32> to vector<3x1024xf32>
    %dot_general3A_42 = arith.constant dense<0.000000e+00> : vector<128x1024xf32>
    %dot_general3A_43 = tpu.matmul %get3A_1, %slice3A_41, %dot_general3A_42 {dimension_numbers = #tpu.dot_dimension_numbers<[1], [0], [0], [1], [0, 0, 1, 1], [], []>, precision = #tpu.contract_precision<fp32>, transpose_lhs_hint = false} : vector<128x3xf32>, vector<3x1024xf32>, vector<128x1024xf32> -> vector<128x1024xf32>
    %max3A_44 = arith.maximumf %max3A_40, %dot_general3A_43 : vector<128x1024xf32>
    %slice3A_45 = vector.extract_strided_slice %get3A_4 {offsets = [33, 0], sizes = [3, 1024], strides = [1, 1]} : vector<96x1024xf32> to vector<3x1024xf32>
    %dot_general3A_46 = arith.constant dense<0.000000e+00> : vector<128x1024xf32>
    %dot_general3A_47 = tpu.matmul %get3A_1, %slice3A_45, %dot_general3A_46 {dimension_numbers = #tpu.dot_dimension_numbers<[1], [0], [0], [1], [0, 0, 1, 1], [], []>, precision = #tpu.contract_precision<fp32>, transpose_lhs_hint = false} : vector<128x3xf32>, vector<3x1024xf32>, vector<128x1024xf32> -> vector<128x1024xf32>
    %max3A_48 = arith.maximumf %max3A_44, %dot_general3A_47 : vector<128x1024xf32>
    %slice3A_49 = vector.extract_strided_slice %get3A_4 {offsets = [36, 0], sizes = [3, 1024], strides = [1, 1]} : vector<96x1024xf32> to vector<3x1024xf32>
    %dot_general3A_50 = arith.constant dense<0.000000e+00> : vector<128x1024xf32>
    %dot_general3A_51 = tpu.matmul %get3A_1, %slice3A_49, %dot_general3A_50 {dimension_numbers = #tpu.dot_dimension_numbers<[1], [0], [0], [1], [0, 0, 1, 1], [], []>, precision = #tpu.contract_precision<fp32>, transpose_lhs_hint = false} : vector<128x3xf32>, vector<3x1024xf32>, vector<128x1024xf32> -> vector<128x1024xf32>
    %max3A_52 = arith.maximumf %max3A_48, %dot_general3A_51 : vector<128x1024xf32>
    %slice3A_53 = vector.extract_strided_slice %get3A_4 {offsets = [39, 0], sizes = [3, 1024], strides = [1, 1]} : vector<96x1024xf32> to vector<3x1024xf32>
    %dot_general3A_54 = arith.constant dense<0.000000e+00> : vector<128x1024xf32>
    %dot_general3A_55 = tpu.matmul %get3A_1, %slice3A_53, %dot_general3A_54 {dimension_numbers = #tpu.dot_dimension_numbers<[1], [0], [0], [1], [0, 0, 1, 1], [], []>, precision = #tpu.contract_precision<fp32>, transpose_lhs_hint = false} : vector<128x3xf32>, vector<3x1024xf32>, vector<128x1024xf32> -> vector<128x1024xf32>
    %max3A_56 = arith.maximumf %max3A_52, %dot_general3A_55 : vector<128x1024xf32>
    %slice3A_57 = vector.extract_strided_slice %get3A_4 {offsets = [42, 0], sizes = [3, 1024], strides = [1, 1]} : vector<96x1024xf32> to vector<3x1024xf32>
    %dot_general3A_58 = arith.constant dense<0.000000e+00> : vector<128x1024xf32>
    %dot_general3A_59 = tpu.matmul %get3A_1, %slice3A_57, %dot_general3A_58 {dimension_numbers = #tpu.dot_dimension_numbers<[1], [0], [0], [1], [0, 0, 1, 1], [], []>, precision = #tpu.contract_precision<fp32>, transpose_lhs_hint = false} : vector<128x3xf32>, vector<3x1024xf32>, vector<128x1024xf32> -> vector<128x1024xf32>
    %max3A_60 = arith.maximumf %max3A_56, %dot_general3A_59 : vector<128x1024xf32>
    %slice3A_61 = vector.extract_strided_slice %get3A_4 {offsets = [45, 0], sizes = [3, 1024], strides = [1, 1]} : vector<96x1024xf32> to vector<3x1024xf32>
    %dot_general3A_62 = arith.constant dense<0.000000e+00> : vector<128x1024xf32>
    %dot_general3A_63 = tpu.matmul %get3A_1, %slice3A_61, %dot_general3A_62 {dimension_numbers = #tpu.dot_dimension_numbers<[1], [0], [0], [1], [0, 0, 1, 1], [], []>, precision = #tpu.contract_precision<fp32>, transpose_lhs_hint = false} : vector<128x3xf32>, vector<3x1024xf32>, vector<128x1024xf32> -> vector<128x1024xf32>
    %max3A_64 = arith.maximumf %max3A_60, %dot_general3A_63 : vector<128x1024xf32>
    %slice3A_65 = vector.extract_strided_slice %get3A_4 {offsets = [48, 0], sizes = [3, 1024], strides = [1, 1]} : vector<96x1024xf32> to vector<3x1024xf32>
    %dot_general3A_66 = arith.constant dense<0.000000e+00> : vector<128x1024xf32>
    %dot_general3A_67 = tpu.matmul %get3A_1, %slice3A_65, %dot_general3A_66 {dimension_numbers = #tpu.dot_dimension_numbers<[1], [0], [0], [1], [0, 0, 1, 1], [], []>, precision = #tpu.contract_precision<fp32>, transpose_lhs_hint = false} : vector<128x3xf32>, vector<3x1024xf32>, vector<128x1024xf32> -> vector<128x1024xf32>
    %max3A_68 = arith.maximumf %max3A_64, %dot_general3A_67 : vector<128x1024xf32>
    %slice3A_69 = vector.extract_strided_slice %get3A_4 {offsets = [51, 0], sizes = [3, 1024], strides = [1, 1]} : vector<96x1024xf32> to vector<3x1024xf32>
    %dot_general3A_70 = arith.constant dense<0.000000e+00> : vector<128x1024xf32>
    %dot_general3A_71 = tpu.matmul %get3A_1, %slice3A_69, %dot_general3A_70 {dimension_numbers = #tpu.dot_dimension_numbers<[1], [0], [0], [1], [0, 0, 1, 1], [], []>, precision = #tpu.contract_precision<fp32>, transpose_lhs_hint = false} : vector<128x3xf32>, vector<3x1024xf32>, vector<128x1024xf32> -> vector<128x1024xf32>
    %max3A_72 = arith.maximumf %max3A_68, %dot_general3A_71 : vector<128x1024xf32>
    %slice3A_73 = vector.extract_strided_slice %get3A_4 {offsets = [54, 0], sizes = [3, 1024], strides = [1, 1]} : vector<96x1024xf32> to vector<3x1024xf32>
    %dot_general3A_74 = arith.constant dense<0.000000e+00> : vector<128x1024xf32>
    %dot_general3A_75 = tpu.matmul %get3A_1, %slice3A_73, %dot_general3A_74 {dimension_numbers = #tpu.dot_dimension_numbers<[1], [0], [0], [1], [0, 0, 1, 1], [], []>, precision = #tpu.contract_precision<fp32>, transpose_lhs_hint = false} : vector<128x3xf32>, vector<3x1024xf32>, vector<128x1024xf32> -> vector<128x1024xf32>
    %max3A_76 = arith.maximumf %max3A_72, %dot_general3A_75 : vector<128x1024xf32>
    %slice3A_77 = vector.extract_strided_slice %get3A_4 {offsets = [57, 0], sizes = [3, 1024], strides = [1, 1]} : vector<96x1024xf32> to vector<3x1024xf32>
    %dot_general3A_78 = arith.constant dense<0.000000e+00> : vector<128x1024xf32>
    %dot_general3A_79 = tpu.matmul %get3A_1, %slice3A_77, %dot_general3A_78 {dimension_numbers = #tpu.dot_dimension_numbers<[1], [0], [0], [1], [0, 0, 1, 1], [], []>, precision = #tpu.contract_precision<fp32>, transpose_lhs_hint = false} : vector<128x3xf32>, vector<3x1024xf32>, vector<128x1024xf32> -> vector<128x1024xf32>
    %max3A_80 = arith.maximumf %max3A_76, %dot_general3A_79 : vector<128x1024xf32>
    %slice3A_81 = vector.extract_strided_slice %get3A_4 {offsets = [60, 0], sizes = [3, 1024], strides = [1, 1]} : vector<96x1024xf32> to vector<3x1024xf32>
    %dot_general3A_82 = arith.constant dense<0.000000e+00> : vector<128x1024xf32>
    %dot_general3A_83 = tpu.matmul %get3A_1, %slice3A_81, %dot_general3A_82 {dimension_numbers = #tpu.dot_dimension_numbers<[1], [0], [0], [1], [0, 0, 1, 1], [], []>, precision = #tpu.contract_precision<fp32>, transpose_lhs_hint = false} : vector<128x3xf32>, vector<3x1024xf32>, vector<128x1024xf32> -> vector<128x1024xf32>
    %max3A_84 = arith.maximumf %max3A_80, %dot_general3A_83 : vector<128x1024xf32>
    %slice3A_85 = vector.extract_strided_slice %get3A_4 {offsets = [63, 0], sizes = [3, 1024], strides = [1, 1]} : vector<96x1024xf32> to vector<3x1024xf32>
    %dot_general3A_86 = arith.constant dense<0.000000e+00> : vector<128x1024xf32>
    %dot_general3A_87 = tpu.matmul %get3A_1, %slice3A_85, %dot_general3A_86 {dimension_numbers = #tpu.dot_dimension_numbers<[1], [0], [0], [1], [0, 0, 1, 1], [], []>, precision = #tpu.contract_precision<fp32>, transpose_lhs_hint = false} : vector<128x3xf32>, vector<3x1024xf32>, vector<128x1024xf32> -> vector<128x1024xf32>
    %max3A_88 = arith.maximumf %max3A_84, %dot_general3A_87 : vector<128x1024xf32>
    %slice3A_89 = vector.extract_strided_slice %get3A_4 {offsets = [66, 0], sizes = [3, 1024], strides = [1, 1]} : vector<96x1024xf32> to vector<3x1024xf32>
    %dot_general3A_90 = arith.constant dense<0.000000e+00> : vector<128x1024xf32>
    %dot_general3A_91 = tpu.matmul %get3A_1, %slice3A_89, %dot_general3A_90 {dimension_numbers = #tpu.dot_dimension_numbers<[1], [0], [0], [1], [0, 0, 1, 1], [], []>, precision = #tpu.contract_precision<fp32>, transpose_lhs_hint = false} : vector<128x3xf32>, vector<3x1024xf32>, vector<128x1024xf32> -> vector<128x1024xf32>
    %max3A_92 = arith.maximumf %max3A_88, %dot_general3A_91 : vector<128x1024xf32>
    %slice3A_93 = vector.extract_strided_slice %get3A_4 {offsets = [69, 0], sizes = [3, 1024], strides = [1, 1]} : vector<96x1024xf32> to vector<3x1024xf32>
    %dot_general3A_94 = arith.constant dense<0.000000e+00> : vector<128x1024xf32>
    %dot_general3A_95 = tpu.matmul %get3A_1, %slice3A_93, %dot_general3A_94 {dimension_numbers = #tpu.dot_dimension_numbers<[1], [0], [0], [1], [0, 0, 1, 1], [], []>, precision = #tpu.contract_precision<fp32>, transpose_lhs_hint = false} : vector<128x3xf32>, vector<3x1024xf32>, vector<128x1024xf32> -> vector<128x1024xf32>
    %max3A_96 = arith.maximumf %max3A_92, %dot_general3A_95 : vector<128x1024xf32>
    %slice3A_97 = vector.extract_strided_slice %get3A_4 {offsets = [72, 0], sizes = [3, 1024], strides = [1, 1]} : vector<96x1024xf32> to vector<3x1024xf32>
    %dot_general3A_98 = arith.constant dense<0.000000e+00> : vector<128x1024xf32>
    %dot_general3A_99 = tpu.matmul %get3A_1, %slice3A_97, %dot_general3A_98 {dimension_numbers = #tpu.dot_dimension_numbers<[1], [0], [0], [1], [0, 0, 1, 1], [], []>, precision = #tpu.contract_precision<fp32>, transpose_lhs_hint = false} : vector<128x3xf32>, vector<3x1024xf32>, vector<128x1024xf32> -> vector<128x1024xf32>
    %max3A_100 = arith.maximumf %max3A_96, %dot_general3A_99 : vector<128x1024xf32>
    %slice3A_101 = vector.extract_strided_slice %get3A_4 {offsets = [75, 0], sizes = [3, 1024], strides = [1, 1]} : vector<96x1024xf32> to vector<3x1024xf32>
    %dot_general3A_102 = arith.constant dense<0.000000e+00> : vector<128x1024xf32>
    %dot_general3A_103 = tpu.matmul %get3A_1, %slice3A_101, %dot_general3A_102 {dimension_numbers = #tpu.dot_dimension_numbers<[1], [0], [0], [1], [0, 0, 1, 1], [], []>, precision = #tpu.contract_precision<fp32>, transpose_lhs_hint = false} : vector<128x3xf32>, vector<3x1024xf32>, vector<128x1024xf32> -> vector<128x1024xf32>
    %max3A_104 = arith.maximumf %max3A_100, %dot_general3A_103 : vector<128x1024xf32>
    %slice3A_105 = vector.extract_strided_slice %get3A_4 {offsets = [78, 0], sizes = [3, 1024], strides = [1, 1]} : vector<96x1024xf32> to vector<3x1024xf32>
    %dot_general3A_106 = arith.constant dense<0.000000e+00> : vector<128x1024xf32>
    %dot_general3A_107 = tpu.matmul %get3A_1, %slice3A_105, %dot_general3A_106 {dimension_numbers = #tpu.dot_dimension_numbers<[1], [0], [0], [1], [0, 0, 1, 1], [], []>, precision = #tpu.contract_precision<fp32>, transpose_lhs_hint = false} : vector<128x3xf32>, vector<3x1024xf32>, vector<128x1024xf32> -> vector<128x1024xf32>
    %max3A_108 = arith.maximumf %max3A_104, %dot_general3A_107 : vector<128x1024xf32>
    %slice3A_109 = vector.extract_strided_slice %get3A_4 {offsets = [81, 0], sizes = [3, 1024], strides = [1, 1]} : vector<96x1024xf32> to vector<3x1024xf32>
    %dot_general3A_110 = arith.constant dense<0.000000e+00> : vector<128x1024xf32>
    %dot_general3A_111 = tpu.matmul %get3A_1, %slice3A_109, %dot_general3A_110 {dimension_numbers = #tpu.dot_dimension_numbers<[1], [0], [0], [1], [0, 0, 1, 1], [], []>, precision = #tpu.contract_precision<fp32>, transpose_lhs_hint = false} : vector<128x3xf32>, vector<3x1024xf32>, vector<128x1024xf32> -> vector<128x1024xf32>
    %max3A_112 = arith.maximumf %max3A_108, %dot_general3A_111 : vector<128x1024xf32>
    %slice3A_113 = vector.extract_strided_slice %get3A_4 {offsets = [84, 0], sizes = [3, 1024], strides = [1, 1]} : vector<96x1024xf32> to vector<3x1024xf32>
    %dot_general3A_114 = arith.constant dense<0.000000e+00> : vector<128x1024xf32>
    %dot_general3A_115 = tpu.matmul %get3A_1, %slice3A_113, %dot_general3A_114 {dimension_numbers = #tpu.dot_dimension_numbers<[1], [0], [0], [1], [0, 0, 1, 1], [], []>, precision = #tpu.contract_precision<fp32>, transpose_lhs_hint = false} : vector<128x3xf32>, vector<3x1024xf32>, vector<128x1024xf32> -> vector<128x1024xf32>
    %max3A_116 = arith.maximumf %max3A_112, %dot_general3A_115 : vector<128x1024xf32>
    %slice3A_117 = vector.extract_strided_slice %get3A_4 {offsets = [87, 0], sizes = [3, 1024], strides = [1, 1]} : vector<96x1024xf32> to vector<3x1024xf32>
    %dot_general3A_118 = arith.constant dense<0.000000e+00> : vector<128x1024xf32>
    %dot_general3A_119 = tpu.matmul %get3A_1, %slice3A_117, %dot_general3A_118 {dimension_numbers = #tpu.dot_dimension_numbers<[1], [0], [0], [1], [0, 0, 1, 1], [], []>, precision = #tpu.contract_precision<fp32>, transpose_lhs_hint = false} : vector<128x3xf32>, vector<3x1024xf32>, vector<128x1024xf32> -> vector<128x1024xf32>
    %max3A_120 = arith.maximumf %max3A_116, %dot_general3A_119 : vector<128x1024xf32>
    %slice3A_121 = vector.extract_strided_slice %get3A_4 {offsets = [90, 0], sizes = [3, 1024], strides = [1, 1]} : vector<96x1024xf32> to vector<3x1024xf32>
    %dot_general3A_122 = arith.constant dense<0.000000e+00> : vector<128x1024xf32>
    %dot_general3A_123 = tpu.matmul %get3A_1, %slice3A_121, %dot_general3A_122 {dimension_numbers = #tpu.dot_dimension_numbers<[1], [0], [0], [1], [0, 0, 1, 1], [], []>, precision = #tpu.contract_precision<fp32>, transpose_lhs_hint = false} : vector<128x3xf32>, vector<3x1024xf32>, vector<128x1024xf32> -> vector<128x1024xf32>
    %max3A_124 = arith.maximumf %max3A_120, %dot_general3A_123 : vector<128x1024xf32>
    %slice3A_125 = vector.extract_strided_slice %get3A_4 {offsets = [93, 0], sizes = [3, 1024], strides = [1, 1]} : vector<96x1024xf32> to vector<3x1024xf32>
    %dot_general3A_126 = arith.constant dense<0.000000e+00> : vector<128x1024xf32>
    %dot_general3A_127 = tpu.matmul %get3A_1, %slice3A_125, %dot_general3A_126 {dimension_numbers = #tpu.dot_dimension_numbers<[1], [0], [0], [1], [0, 0, 1, 1], [], []>, precision = #tpu.contract_precision<fp32>, transpose_lhs_hint = false} : vector<128x3xf32>, vector<3x1024xf32>, vector<128x1024xf32> -> vector<128x1024xf32>
    %max3A_128 = arith.maximumf %max3A_124, %dot_general3A_127 : vector<128x1024xf32>
    %get3A_129 = arith.constant 0 : index
    %get3A_130 = arith.constant 0 : index
    %get3A_131 = vector.load %arg2[%get3A_129, %get3A_130] : memref<3x1024xf32, #tpu.memory_space<vmem>>, vector<3x1024xf32>
    %dot_general3A_132 = arith.constant dense<0.000000e+00> : vector<128x1024xf32>
    %dot_general3A_133 = tpu.matmul %get3A_1, %get3A_131, %dot_general3A_132 {dimension_numbers = #tpu.dot_dimension_numbers<[1], [0], [0], [1], [0, 0, 1, 1], [], []>, precision = #tpu.contract_precision<fp32>, transpose_lhs_hint = false} : vector<128x3xf32>, vector<3x1024xf32>, vector<128x1024xf32> -> vector<128x1024xf32>
    %sub3A = arith.subf %max3A_128, %dot_general3A_133 : vector<128x1024xf32>
    %max3A_134 = arith.constant 0.000000e+00 : f32
    %max3A_135 = vector.broadcast %max3A_134 : f32 to vector<128x1024xf32>
    %max3A_136 = arith.maximumf %sub3A, %max3A_135 : vector<128x1024xf32>
    %get3A_137 = arith.constant 0 : index
    %get3A_138 = arith.constant 0 : index
    %get3A_139 = vector.load %arg4[%get3A_137, %get3A_138] : memref<32x128xf32, #tpu.memory_space<vmem>>, vector<32x128xf32>
    %dot_general3A_140 = arith.constant dense<0.000000e+00> : vector<32x1024xf32>
    %dot_general3A_141 = tpu.matmul %get3A_139, %max3A_136, %dot_general3A_140 {dimension_numbers = #tpu.dot_dimension_numbers<[1], [0], [0], [1], [0, 0, 1, 1], [], []>, precision = #tpu.contract_precision<fp32>, transpose_lhs_hint = false} : vector<32x128xf32>, vector<128x1024xf32>, vector<32x1024xf32> -> vector<32x1024xf32>
    %swap3A = arith.constant 0 : index
    %swap3A_142 = arith.constant 0 : index
    %swap3A_143 = vector.load %arg5[%swap3A, %swap3A_142] : memref<32x1024xf32, #tpu.memory_space<vmem>>, vector<32x1024xf32>
    tpu.vector_store %arg5[%swap3A, %swap3A_142], %dot_general3A_141 {strides = array<i32>} : memref<32x1024xf32, #tpu.memory_space<vmem>>, vector<32x1024xf32>,
    return
  }
  func.func @transform_0(%arg0: i32) -> (i32, i32) {
    %c0_i32 = arith.constant 0 : i32
    %c0_i32_0 = arith.constant 0 : i32
    return %c0_i32, %arg0 : i32, i32
  }
  func.func @transform_1(%arg0: i32) -> (i32, i32) {
    %c0_i32 = arith.constant 0 : i32
    %c0_i32_0 = arith.constant 0 : i32
    return %c0_i32, %arg0 : i32, i32
  }
  func.func @transform_2(%arg0: i32) -> (i32, i32) {
    %c0_i32 = arith.constant 0 : i32
    %c0_i32_0 = arith.constant 0 : i32
    %c0_i32_1 = arith.constant 0 : i32
    return %c0_i32, %c0_i32_0 : i32, i32
  }
  func.func @transform_3(%arg0: i32) -> (i32, i32) {
    %c0_i32 = arith.constant 0 : i32
    %c0_i32_0 = arith.constant 0 : i32
    %c0_i32_1 = arith.constant 0 : i32
    return %c0_i32, %c0_i32_0 : i32, i32
  }
  func.func @transform_4(%arg0: i32) -> (i32, i32) {
    %c0_i32 = arith.constant 0 : i32
    %c0_i32_0 = arith.constant 0 : i32
    return %c0_i32, %arg0 : i32, i32
  }
}

</mosaic_0001>

<sc_bundles>
// kernel: kernel.4.cloned.1.call-start
scs
__scs_entry_jumppad:
0x0: {  	(pc) =	sbr.rel $0x88, $3  }
0x1: {  	(tag) =	ssettag $0x0;
	lr =	simm.s32 $0x1  }
0x2: {  	[smem:$0x3F9D] =	sst lr;
	_ =	strace $0xD0000000  }
0x3: {  	_ = 	snop  }
0x4: {  	_ = 	snop  }
0x5: {  	_ = 	snop  }
0x6: {  	_ = 	snop  }
0x7: {  	_ = 	snop  }
__scs_overlays_trampoline_lowered:
0x8: {  	[smem:$0x3FAC] =	sst s0  }
0x9: {  	[smem:$0x3FAD] =	sst s1  }
0xa: {  	[smem:$0x3FAE] =	sst s2  }
0xb: {  	[smem:$0x3FAF] =	sst s3  }
0xc: {  	[smem:$0x3FB0] =	sst s4  }
0xd: {  	[smem:$0x3FB1] =	sst s5  }
0xe: {  	[smem:$0x3FB2] =	sst s6  }
0xf: {  	[smem:$0x3FB3] =	sst s7  }
0x10: {  	[smem:$0x3FB4] =	sst s8  }
0x11: {  	[smem:$0x3FB5] =	sst s9;
	s0 =	simm.s32 @!p0 $0x0  }
0x12: {  	s1 =	sld [smem:$0x3F9B];
	s0 =	simm.s32 @p0 $0x1  }
0x13: {  	[smem:$0x3FB6] =	sst s0;
	s0 =	simm.s32 @!p1 $0x0  }
0x14: {  	s2 =	sld [smem:$0x3F9A];
	s0 =	simm.s32 @p1 $0x1  }
0x15: {  	[smem:$0x3FB7] =	sst s0;
	s0 =	simm.s32 @!p2 $0x0  }
0x16: {  	s3 =	sld [smem:$0x3FDB];
	s0 =	simm.s32 @p2 $0x1  }
0x17: {  	s4 =	simm.s32 $0x1BF5;
	[smem:$0x3FB9] =	sst s0  }
0x18: {  	s0 =	sld [smem:$0x3F9C];
	_ =	swait.ge [sflag:s4], $0x0  }
0x19: {  	s7 =	sld [smem:$0x3F9D]  }
0x1a: {  	s8 =	sadd.s32 $0xFFFFE003, lr  }
0x1b: {  	s9 =	sadd.s32 $0xFFFFFEF7, lr;
	s5 =	simm.s32 $0xFFFFFFFF;
	p2 =	slt.u32 s8, $0xFFFFF086  }
0x1c: {  	p1 =	slt.u32 s9, $0xF7A;
	s5 =	simm.s32 @!p2 $0x0  }
0x1d: {  	s5 =	simm.s32 @p1 $0x1;
	p0 =	seq.s32 s7, s2  }
0x1e: {  	s7 =	smul.u32 @!p0 $0xF7A, s2;
	p2 =	seq.s32 @!p0 s5, $0x0  }
0x1f: {  	s9 =	smul.u32 $0xF7A, s1;
	s8 =	simm.s32 @!p0 $0x1BF5;
	p2 =	por !p2, p0  }
0x20: {  	[sflag:s8] =	ssyncset.s32 @!p0 $0xFFFFF086;
	s6 =	sadd.s32 @!p0 s3, s7;
	s7 =	simm.s32 @!p0 $0x108  }
0x21: {  	s3 =	sadd.s32 s3, s9;
	s6 =	sadd.s32 @!p0 $0x88, s6;
	s7 =	simm.s32 @p2 $0x1082  }
0x22: {  	[simem:s7], [sflag:s8] =	dma.local @!p0 [hbm:s6], $0xF7A  }
0x23: {  	s9 =	sor.u32 $0xD0000000, s2;
	s6 =	simm.s32 $0x108;
	_ =	swait.ge @!p0 [sflag:s8], $0x0  }
0x24: {  	s3 =	sadd.s32 $0x88, s3;
	s6 =	simm.s32 @!p1 $0x1082;
	[sflag:s4] =	ssyncset.s32 $0xFFFFF086  }
0x25: {  	[simem:s6], [sflag:s4] =	dma.local [hbm:s3], $0xF7A  }
0x26: {  	[smem:$0x3F9D] =	sst s1;
	(tag) =	ssettag s2;
	_ =	strace s9  }
0x27: {  	s1 =	sld [smem:$0x3FAD]  }
0x28: {  	s2 =	sld [smem:$0x3FAE]  }
0x29: {  	s4 =	sld [smem:$0x3FB0]  }
0x2a: {  	p0 =	seq.s32 s5, $0x0;
	s5 =	sld [smem:$0x3FB1]  }
0x2b: {  	s6 =	sld [smem:$0x3FB2]  }
0x2c: {  	s7 =	sld [smem:$0x3FB3]  }
0x2d: {  	s3 =	simm.s32 $0x108;
	s8 =	sld [smem:$0x3FB4]  }
0x2e: {  	s3 =	simm.s32 @!p0 $0x1082;
	s9 =	sld [smem:$0x3FB5]  }
0x2f: {  	lr =	sadd.s32 s0, s3;
	s0 =	sld [smem:$0x3FAC]  }
0x30: {  	s3 =	sld [smem:$0x3FAF]  }
0x31: {  	[smem:$0x3FB8] =	sst s10  }
0x32: {  	s10 =	sld [smem:$0x3FB6];
	_ =	sdelay $0x3  }
0x33: {  	p0 =	seq.s32 s10, $0x1;
	s10 =	sld [smem:$0x3FB8];
	_ =	sdelay $0x3  }
0x34: {  	[smem:$0x3FB8] =	sst s10  }
0x35: {  	s10 =	sld [smem:$0x3FB7];
	_ =	sdelay $0x3  }
0x36: {  	p1 =	seq.s32 s10, $0x1;
	s10 =	sld [smem:$0x3FB8];
	_ =	sdelay $0x3  }
0x37: {  	[smem:$0x3FB8] =	sst s10  }
0x38: {  	s10 =	sld [smem:$0x3FB9]  }
0x39: {  	_ = 	snop;
	(pc) =	sbr.ind lr, $3  }
0x3a: {  	_ = 	snop  }
0x3b: {  	_ = 	snop  }
0x3c: {  	p2 =	seq.s32 s10, $0x1;
	s10 =	sld [smem:$0x3FB8]  }
0x3d: {  	_ =	shalt  }
0x3e: {  	_ =	shalt  }
0x3f: {  	_ =	shalt  }
0x40: {  	_ =	shalt  }
0x41: {  	_ =	shalt  }
0x42: {  	_ =	shalt  }
0x43: {  	_ =	shalt  }
0x44: {  	_ =	shalt  }
0x45: {  	_ =	shalt  }
0x46: {  	_ =	shalt  }
0x47: {  	_ =	shalt  }
0x48: {  	_ =	shalt  }
0x49: {  	_ =	shalt  }
0x4a: {  	_ =	shalt  }
0x4b: {  	_ =	shalt  }
0x4c: {  	_ =	shalt  }
0x4d: {  	_ =	shalt  }
0x4e: {  	_ =	shalt  }
0x4f: {  	_ =	shalt  }
0x50: {  	_ =	shalt  }
0x51: {  	_ =	shalt  }
0x52: {  	_ =	shalt  }
0x53: {  	_ =	shalt  }
0x54: {  	_ =	shalt  }
0x55: {  	_ =	shalt  }
0x56: {  	_ =	shalt  }
0x57: {  	_ =	shalt  }
0x58: {  	_ =	shalt  }
0x59: {  	_ =	shalt  }
0x5a: {  	_ =	shalt  }
0x5b: {  	_ =	shalt  }
0x5c: {  	_ =	shalt  }
0x5d: {  	_ =	shalt  }
0x5e: {  	_ =	shalt  }
0x5f: {  	_ =	shalt  }
0x60: {  	_ =	shalt  }
0x61: {  	_ =	shalt  }
0x62: {  	_ =	shalt  }
0x63: {  	_ =	shalt  }
0x64: {  	_ =	shalt  }
0x65: {  	_ =	shalt  }
0x66: {  	_ =	shalt  }
0x67: {  	_ =	shalt  }
0x68: {  	_ =	shalt  }
0x69: {  	_ =	shalt  }
0x6a: {  	_ =	shalt  }
0x6b: {  	_ =	shalt  }
0x6c: {  	_ =	shalt  }
0x6d: {  	_ =	shalt  }
0x6e: {  	_ =	shalt  }
0x6f: {  	_ =	shalt  }
0x70: {  	_ =	shalt  }
0x71: {  	_ =	shalt  }
0x72: {  	_ =	shalt  }
0x73: {  	_ =	shalt  }
0x74: {  	_ =	shalt  }
0x75: {  	_ =	shalt  }
0x76: {  	_ =	shalt  }
0x77: {  	_ =	shalt  }
0x78: {  	_ =	shalt  }
0x79: {  	_ =	shalt  }
0x7a: {  	_ =	shalt  }
0x7b: {  	_ =	shalt  }
0x7c: {  	_ =	shalt  }
0x7d: {  	_ =	shalt  }
0x7e: {  	_ =	shalt  }
0x7f: {  	_ =	shalt  }
0x80: {  	_ =	shalt  }
0x81: {  	_ =	shalt  }
0x82: {  	_ =	shalt  }
0x83: {  	_ =	shalt  }
0x84: {  	_ =	shalt  }
0x85: {  	_ =	shalt  }
0x86: {  	_ =	shalt  }
0x87: {  	_ =	shalt  }
.Lfunc_end0:
.L_simem_size_0:
called_computation_lowered:
.L_overlay_start_0:
0x88: {  	s2 =	sld [smem:$0x3FD9]  }
0x89: {  	s3 =	sld [smem:$0x3FFE];
	_ =	sdelay $0x1  }
0x8a: {  	s1 =	srdreg.scid  }
0x8b: {  	s0 =	sand.u32 $0x1, s1  }
0x8c: {  	s17 =	sshll.u32 s0, $0xA;
	s2 =	sadd.s32 s3, s2  }
0x8d: {  	s2 =	sadd.s32 s2, s17  }
0x8e: {  	[smem:$0x3FC4] =	sst s2  }
0x8f: {  	_ = 	snop  }
0x90: {  	s2 =	sld [smem:$0x3FD0];
	(tm) =	ssettm $0x1  }
0x91: {  	s18 =	sld [smem:$0x3FFB];
	_ =	sdelay $0x3  }
0x92: {  	_ =	strace s18  }
0x93: {  	s3 =	sld [smem:$0x3FFC];
	_ =	sdelay $0x3  }
0x94: {  	_ =	strace s3  }
0x95: {  	s3 =	sld [smem:$0x3FFD];
	_ =	sdelay $0x3  }
0x96: {  	_ =	strace s3  }
0x97: {  	_ =	strace $0x8FFFFFFF  }
0x98: {  	s19 =	sld [smem:$0x3FDB];
	_ =	sdelay $0x1  }
0x99: {  	s4 =	simm.s32 $_scs_section_size  }
0x9a: {  	s5 =	simm.s32 $_size__tile_overlayer_lowered;
	s6 =	simm.s32 $_tile_overlayer_lowered  }
0x9b: {  	s22 =	simm.s32 $0x1BFF;
	s21 =	sshll.u32 s6, $0x1;
	s3 =	sadd.s32 s4, s19  }
0x9c: {  	s7 =	simm.s32 $0x0;
	s20 =	sshll.u32 s5, $0x1;
	s5 =	sadd.s32 s21, s3  }
0x9d: {  	[timem:s7], [sflag:s22] =	dma.local [hbm:s5], s20  }
0x9e: {  	_ =	swait.ge [sflag:s22], s20  }
0x9f: {  	s4 =	ssub.s32 $0x0, s20;
	[sflag:s22] =	ssyncset.done $0x0  }
0xa0: {  	[sflag:s22] =	ssyncadd.s32 s4;
	_ =	sdelay $0x1  }
0xa1: {  	s23 =	simm.s32 $0x1B8B  }
0xa2: {  	_ =	swait.ge [sflag:s23], $0x1  }
0xa3: {  	[sflag:s23] =	ssyncset.done $0x0  }
0xa4: {  	s25 =	simm.s32 $0x1B8E;
	s24 =	sld [smem:$0x3FFE];
	[sflag:s23] =	ssyncadd.s32 $0xFFFFFFFF  }
0xa5: {  	s26 =	simm.s32 $execute0_lowered;
	[smem:$0x3FD2] =	sst s25  }
0xa6: {  	s5 =	sshll.u32 s26, $0x1;
	_ =	strace $0x80000046;
	[dreg:$0x1] =	wrdreg $0xFFFFFFFF  }
0xa7: {  	s28 =	simm.s32 $_size_execute0_lowered;
	s3 =	sadd.s32 s3, s5;
	[dreg:$0x0] =	wrdreg $0x0  }
0xa8: {  	s5 =	sshll.u32 s28, $0x1;
	[dreg:$0x2] =	wrdreg s3  }
0xa9: {  	[dreg:$0x3] =	wrdreg s5  }
0xaa: {  	[dreg:$0x4] =	wrdreg $0xC0  }
0xab: {  	_ =	task [dreg:s7], $0x5FFFF  }
0xac: {  	[dreg:$0x1] =	wrdreg $0xFFFFFFFF  }
0xad: {  	[dreg:$0x0] =	wrdreg $0x60  }
0xae: {  	[dreg:$0x2] =	wrdreg s24  }
0xaf: {  	[dreg:$0x3] =	wrdreg s2  }
0xb0: {  	[dreg:$0x4] =	wrdreg $0x9  }
0xb1: {  	_ =	task.clear_ibuf [dreg:s7], $0x5FFFF;
	_ =	strace $0x90000046  }
0xb2: {  	s29 =	simm.s32 $0x9;
	_ =	strace $0x80000048  }
0xb3: {  	_ =	swait.ge [sflag:s29], $0x1  }
0xb4: {  	[sflag:s29] =	ssyncadd.s32 $0xFFFFFFFF  }
0xb5: {  	_ =	strace $0x90000048  }
0xb6: {  	_ =	sfence  }
0xb7: {  	s30 =	sld [smem:$0x0];
	_ =	sdelay $0x2  }
0xb8: {  	s31 =	sshll.u32 s1, $0xD;
	s1 =	sshrl.u32 s1, $0x2  }
0xb9: {  	s3 =	sand.u32 $0x4000, s31;
	s1 =	sadd.s32 s1, s30  }
0xba: {  	s0 =	sor.u32 s3, s0;
	s1 =	sshll.u32 s1, $0x11  }
0xbb: {  	s0 =	sor.u32 s1, s0  }
0xbc: {  	s0 =	sadd.s32 $0x8F2B, s0  }
0xbd: {  	[sflag:s0] =	ssyncadd.remote.s32 $0x1  }
0xbe: {  	_ =	sfence.sel $0xFFFF  }
0xbf: {  	[dreg:$0x0] =	wrdreg $0xFFFFFFFF;
	(pc) =	sbr.abs _section_cstart, $3  }
0xc0: {  	[dreg:$0x1] =	wrdreg $0xFFFFFFFF  }
0xc1: {  	_ =	task.clear_ibuf [dreg:s7], $0x2FFFF;
	_ =	strace $0x9FFFFFFF  }
0xc2: {  	(tm) =	ssettm $0x7FFFFFFF  }
0xc3: {  	_ =	shalt  }
tec
execute0_lowered:
.L_overlay_start_1:
0x0: {  	(tag) =	ssettag $0x1  }
0x1: {  	s4 =	rddreg [dreg:$0x0];
	s1 =	srdreg.scid  }
0x2: {  	s0 =	stileid.u32;
	s2 =	rddreg [dreg:$0x1];
	s3 =	simm.s32 $0x0  }
0x3: {  	s13 =	simm.s32 $0x1;
	s14 =	simm.s32 $0x2800;
	s15 =	simm.s32 $0x5000  }
0x4: {  	s16 =	simm.s32 $0x7800;
	s5 =	sand.u32 $0x1, s1;
	s6 =	sshll.u32 s0, $0x1  }
0x5: {  	s17 =	simm.s32 $0x0;
	s1 =	rddreg [dreg:$0x2];
	s6 =	sor.u32 s5, s6  }
0x6: {  	[smem:$0x7FF] =	sst s3;
	s9 =	sadd.s32 $0xA800, s4;
	s7 =	smul.u32 $0x500, s6  }
0x7: {  	_ =	strace $0x80000047;
	s5 =	ssub.s32 $0x2, s5;
	s8 =	smul.u32 $0x7800, s6  }
0x8: {  	s30 =	sshrl.u32 s5, $0x1;
	s11 =	smul.u32 $0xF00, s6;
	s6 =	sadd.s32 $0xA00, s2  }
0x9: {  	s10 =	ssub.s32 s5, s30;
	s5 =	sadd.s32 $0x500, s2;
	s7 =	sadd.s32 s7, s4  }
0xa: {  	s31 =	sshrl.u32 s8, $0x3;
	s10 =	smax.u32 s10, $0x1;
	s4 =	sadd.s32 $0x800, s7  }
0xb: {  	s12 =	sadd.s32 s9, s31;
	s7 =	sadd.s32 s9, s11;
	s11 =	simm.s32 $0x2  }
0xc: {  	s8 =	sadd.s32 $0x500, s12;
	s9 =	sadd.s32 $0xA00, s12;
	s12 =	simm.s32 $0x200  }
.LBB2_1:
0xd: {  	[tilespmem:s3], [sflag:$0x2] =	stream.linear.gather [hbm4b:s4+s3], $0x2800, $0x38;
	[tilespmem:$0xA000] =	vst v63  }
0xe: {  	_ =	swait.ge [sflag:s11], $0x2800  }
0xf: {  	[sflag:s11] =	ssyncset.done $0x0  }
0x10: {  	s19 =	simm.s32 $0x0;
	s18 =	simm.s32 $0x2800;
	[sflag:s11] =	ssyncadd.s32 $0xFFFFD800  }
0x11: {  	[tilespmem:s18], [sflag:$0x1] =	stream.indirect.gather [hbm4b:s2+s12], $0x1, s19, s12, $0xb8;
	[tilespmem:$0xA000] =	vst v63  }
0x12: {  	s31 =	simm.s32 $0x5000;
	s18 =	simm.s32 $0x800  }
0x13: {  	[tilespmem:s31], [sflag:$0x1] =	stream.indirect.gather [hbm4b:s5+s12], $0x1, s19, s12, $0xb8;
	[tilespmem:$0xA000] =	vst v63  }
.LBB2_2:
0x14: {  	s20 =	sshra.s32 s18, $0x2;
	s21 =	sadd.s32 $0x7800, s19;
	p0 =	sne.s32 s18, $0x9800  }
0x15: {  	[tilespmem:s21], [sflag:$0x1] =	stream.indirect.gather [hbm4b:s6+s12], $0x1, s19, s12, $0xb8;
	[tilespmem:$0xA000] =	vst v63  }
.Ltmp0:
0x16: {  	_ = 	snop;
	(pc) =	sbr.rel @p0 .LBB2_2-.Ltmp0, $4  }
0x17: {  	s18 =	sadd.s32 $0x800, s18;
	s19 =	sadd.s32 $0x2800, s20  }
0x18: {  	[tilespmem:s19], [sflag:$0x1] =	stream.indirect.gather [hbm4b:s2+s12], $0x1, s20, s12, $0xb8;
	[tilespmem:$0xA000] =	vst v63  }
0x19: {  	s21 =	sadd.s32 $0x5000, s20;
	s19 =	smov.u32 s20  }
0x1a: {  	[tilespmem:s21], [sflag:$0x1] =	stream.indirect.gather [hbm4b:s5+s12], $0x1, s19, s12, $0xb8;
	[tilespmem:$0xA000] =	vst v63  }
0x1b: {  	s18 =	sadd.s32 $0x7800, s19  }
0x1c: {  	[tilespmem:s18], [sflag:$0x1] =	stream.indirect.gather [hbm4b:s6+s12], $0x1, s19, s12, $0xb8;
	[tilespmem:$0xA000] =	vst v63  }
0x1d: {  	_ =	swait.ge [sflag:s13], $0x7800  }
0x1e: {  	[sflag:s13] =	ssyncset.done $0x0  }
0x1f: {  	[sflag:s13] =	ssyncadd.s32 $0xFFFF8800  }
0x20: {  	[hbm4b:s7+s3] =	stream.linear.scatter [tilespmem:s14], [sflag:$0x2], $0x2800, $0x38;
	[tilespmem:$0xA000] =	vst v63  }
0x21: {  	_ =	swait.ge [sflag:s11], $0x2800  }
0x22: {  	[sflag:s11] =	ssyncset.done $0x0  }
0x23: {  	[sflag:s11] =	ssyncadd.s32 $0xFFFFD800  }
0x24: {  	[hbm4b:s8+s3] =	stream.linear.scatter [tilespmem:s15], [sflag:$0x2], $0x2800, $0x38;
	[tilespmem:$0xA000] =	vst v63  }
0x25: {  	s17 =	sadd.s32 $0x1, s17;
	_ =	swait.ge [sflag:s11], $0x2800  }
0x26: {  	p0 =	sne.s32 s17, s10;
	[sflag:s11] =	ssyncset.done $0x0  }
.Ltmp1:
0x27: {  	[sflag:s11] =	ssyncadd.s32 $0xFFFFD800;
	(pc) =	sbr.rel @p0 .LBB2_1-.Ltmp1, $4  }
0x28: {  	[hbm4b:s9+s3] =	stream.linear.scatter [tilespmem:s16], [sflag:$0x2], $0x2800, $0x38;
	[tilespmem:$0xA000] =	vst v63  }
0x29: {  	_ =	swait.ge [sflag:s11], $0x2800  }
0x2a: {  	[sflag:s11] =	ssyncset.done $0x0  }
0x2b: {  	[sflag:s11] =	ssyncadd.s32 $0xFFFFD800  }
0x2c: {  	_ =	sfence.sel $0x180000  }
0x2d: {  	[bflag:$0x0] =	sbarrier.arrive $0xFFFF  }
0x2e: {  	p0 =	sne.s32 s0, $0x0;
	_ =	strace $0x90000047  }
0x2f: {  	s0 =	sadd.s32 @!p0 $0x100000, s1;
	[bflag:$0x2] =	sbarrier.arrive $0xFFFF  }
0x30: {  	[sflag:s0] =	ssyncadd.tile.s32 @!p0 $0x1;
	_ =	shalt  }
.Lfunc_end2:
_tile_overlayer_lowered:
.L_overlay_start_2:
0x31: {  	(tag) =	ssettag $0x2  }
0x32: {  	s0 =	rddreg [dreg:$0x0];
	s2 =	stileid.u32  }
0x33: {  	s1 =	rddreg [dreg:$0x1];
	p0 =	sne.s32 s2, $0x0  }
0x34: {  	s3 =	rddreg [dreg:$0x2];
	[bflag:$0x3] =	sbarrier.arrive $0xFFFF;
	s2 =	simm.s32 @!p0 $0x1C02  }
0x35: {  	[timem:s3], [sflag:s2] =	dma.local @!p0 [hbm:s0], s1  }
0x36: {  	s0 =	simm.s32 @!p0 $0x2  }
0x37: {  	_ =	swait.ge @!p0 [sflag:s0], s1  }
0x38: {  	s1 =	ssub.s32 @!p0 $0x0, s1;
	[sflag:s0] =	ssyncset.done @!p0 $0x0  }
0x39: {  	[sflag:s0] =	ssyncadd.s32 @!p0 s1  }
0x3a: {  	[bflag:$0x3] =	sbarrier.arrive $0xFFFF  }
0x3b: {  	_ =	shalt  }

</sc_bundles>
